<compile_context>
chip_gen: v7x
topology: tpu7x:2x2x1
jax: 0.10.2.dev20260603
libtpu: 0.0.44.dev20260713+nightly
codegen_flags: <defaults>
</compile_context>

<pallas_src>
import functools

import jax
import jax.numpy as jnp
from jax import lax
from jax.experimental import pallas as pl
from jax.experimental.pallas import tpu as pltpu
from jax.experimental.pallas import tpu_sc as plsc

N_NODES_C = 66
N_EDGES_C = 2048
BATCH_C = 3
PER_BATCH_C = 22
NPAD_C = 128

_SC_CORES = 1
_SC_SUBCORES = 16
_NW = _SC_CORES * _SC_SUBCORES
_EPW = N_EDGES_C // _NW

_HI = lax.Precision.HIGHEST



_ZCH = (128 * 128) // 16


def _sc_adj_kernel(edge_hbm, out_hbm, ssta, dsta, eidx, ones, zbuf, acc):
    cid = lax.axis_index("c")
    sid = lax.axis_index("s")
    wid = sid * _SC_CORES + cid
    base = wid * _EPW

    pltpu.sync_copy(edge_hbm.at[0, pl.ds(base, _EPW)], ssta)
    pltpu.sync_copy(edge_hbm.at[1, pl.ds(base, _EPW)], dsta)

    ones16 = jnp.ones((16,), jnp.float32)
    for j in range(_EPW // 16):
        sl = pl.ds(j * 16, 16)
        eidx[sl] = dsta[sl] * NPAD_C + ssta[sl]
        ones[sl] = ones16

    zeros16 = jnp.zeros((16,), jnp.float32)

    def _z(i, carry):
        zbuf[pl.ds(i * 16, 16)] = zeros16
        return carry

    lax.fori_loop(0, _ZCH // 16, _z, 0)
    pltpu.sync_copy(zbuf, acc.at[pl.ds(sid * _ZCH, _ZCH)])

    plsc.subcore_barrier()

    pltpu.sync_copy(ones, acc.at[eidx], add=True)
    plsc.subcore_barrier()

    pltpu.sync_copy(acc.at[pl.ds(sid * _ZCH, _ZCH)],
                    out_hbm.at[cid, pl.ds(sid * _ZCH, _ZCH)])


_sc_adj = functools.partial(
    pl.kernel,
    out_type=jax.ShapeDtypeStruct((_SC_CORES, NPAD_C * NPAD_C), jnp.float32),
    mesh=plsc.VectorSubcoreMesh(core_axis_name="c", subcore_axis_name="s",
                                num_cores=_SC_CORES),
    scratch_types=[
        pltpu.VMEM((_EPW,), jnp.int32),
        pltpu.VMEM((_EPW,), jnp.int32),
        pltpu.VMEM((_EPW,), jnp.int32),
        pltpu.VMEM((_EPW,), jnp.float32),
        pltpu.VMEM((_ZCH,), jnp.float32),
        pltpu.VMEM_SHARED((NPAD_C * NPAD_C,), jnp.float32),
    ],
)(_sc_adj_kernel)



def _gcn_kernel(a_ref, f_ref, wl_ref, bl_ref,
                w1_ref, b1_ref, w2_ref, b2_ref, w3_ref, b3_ref,
                wr_ref, bro_ref, out_ref):
    A = a_ref[0, :, :]

    f_pad = jnp.concatenate(
        [f_ref[:, :], jnp.zeros((NPAD_C - N_NODES_C, f_ref.shape[1]),
                                jnp.float32)], axis=0)
    x = lax.dot_general(f_pad, wl_ref[:, :], (((1,), (1,)), ((), ())),
                        precision=_HI, preferred_element_type=jnp.float32)
    x = jnp.maximum(x + bl_ref[:, :], 0.0)

    for w_ref, b_ref in ((w1_ref, b1_ref), (w2_ref, b2_ref), (w3_ref, b3_ref)):
        agg = lax.dot_general(A, x, (((1,), (0,)), ((), ())),
                              preferred_element_type=jnp.float32)
        x = lax.dot_general(agg, w_ref[:, :], (((1,), (1,)), ((), ())),
                            preferred_element_type=jnp.float32)
        x = jnp.maximum(x + b_ref[:, :], 0.0)

    wro = wr_ref[:, :]
    dh = x.shape[1]
    wrows = [wro[:, j * dh:(j + 1) * dh] for j in range(PER_BATCH_C)]
    wr_tiled = jnp.concatenate(
        wrows * BATCH_C
        + [jnp.zeros((NPAD_C - N_NODES_C, dh), jnp.float32)], axis=0)
    weighted = x * wr_tiled
    rows = jnp.sum(weighted, axis=1, keepdims=True)
    sel_n = lax.broadcasted_iota(jnp.int32, (BATCH_C, NPAD_C), 1)
    sel_b = lax.broadcasted_iota(jnp.int32, (BATCH_C, NPAD_C), 0)
    S = (sel_n // PER_BATCH_C == sel_b).astype(jnp.float32)
    out = lax.dot_general(S, rows, (((1,), (0,)), ((), ())),
                          precision=_HI, preferred_element_type=jnp.float32)
    out_ref[:, :] = out + bro_ref[:, :]


def kernel(features, edge_index, W_lift, b_lift, W1, b1, W2, b2, W3, b3, W_ro, b_ro):
    a_halves = _sc_adj(edge_index)
    a_halves = a_halves.reshape(_SC_CORES, NPAD_C, NPAD_C)
    out = pl.pallas_call(
        _gcn_kernel,
        out_shape=jax.ShapeDtypeStruct((BATCH_C, 1), jnp.float32),
    )(a_halves, features, W_lift, b_lift.reshape(1, -1),
      W1, b1.reshape(1, -1), W2, b2.reshape(1, -1), W3, b3.reshape(1, -1),
      W_ro, b_ro.reshape(1, 1))
    return out

# --- scband reference (transcript-rebuilt; emitter-appended) ---
"""Pipeline reference for scband-model-29652454211854 (READ-ONLY COPY).

The authoritative reference and input builder live on the scoring server;
editing this copy changes nothing except your own understanding.
"""

import jax, jax.numpy as jnp
import numpy as np

N_NODES = 66
N_EDGES = 2048
D_IN = 9
D_H = 200
BATCH = 3


def setup_inputs(seed: int = 0) -> dict:
    key = jax.random.key(seed)
    ks = jax.random.split(key, 16)
    features = jax.random.normal(ks[0], (N_NODES, D_IN), dtype=jnp.float32)
    edge_index = jax.random.randint(ks[1], (2, N_EDGES), 0, N_NODES, dtype=jnp.int32)
    W_lift = jax.random.normal(ks[2], (D_H, D_IN), dtype=jnp.float32) * (1.0 / np.sqrt(D_IN))
    b_lift = jnp.zeros((D_H,), dtype=jnp.float32)
    W1 = jax.random.normal(ks[3], (D_H, D_H), dtype=jnp.float32) * (1.0 / np.sqrt(D_H))
    b1 = jnp.zeros((D_H,), dtype=jnp.float32)
    W2 = jax.random.normal(ks[4], (D_H, D_H), dtype=jnp.float32) * (1.0 / np.sqrt(D_H))
    b2 = jnp.zeros((D_H,), dtype=jnp.float32)
    W3 = jax.random.normal(ks[5], (D_H, D_H), dtype=jnp.float32) * (1.0 / np.sqrt(D_H))
    b3 = jnp.zeros((D_H,), dtype=jnp.float32)
    W_ro = jax.random.normal(ks[6], (1, 22 * D_H), dtype=jnp.float32) * (1.0 / np.sqrt(22 * D_H))
    b_ro = jnp.zeros((1,), dtype=jnp.float32)
    return {"features": features, "edge_index": edge_index, "W_lift": W_lift, "b_lift": b_lift,
            "W1": W1, "b1": b1, "W2": W2, "b2": b2, "W3": W3, "b3": b3,
            "W_ro": W_ro, "b_ro": b_ro}


def reference(features, edge_index, W_lift, b_lift, W1, b1, W2, b2, W3, b3, W_ro, b_ro):
    src = edge_index[0]
    dst = edge_index[1]

    def gcn(x, W, b):
        # update_all(copy_src, sum): aggregate src features into dst nodes
        agg = jax.ops.segment_sum(x[src], dst, num_segments=N_NODES)
        # apply_nodes: relu(linear(features))
        return jax.nn.relu(agg @ W.T + b)

    x = jax.nn.relu(features @ W_lift.T + b_lift)
    x = gcn(x, W1, b1)
    x = gcn(x, W2, b2)
    x = gcn(x, W3, b3)
    x = x.reshape(BATCH, -1)
    out = x @ W_ro.T + b_ro
    # dropout(p=0.2) treated as identity (eval mode)
    return out

if __name__ == "__main__":
    import jax
    _d = setup_inputs()
    print(jax.jit(kernel)(*tuple(_d.values())))

</pallas_src>

<mosaic_0001>
#map = affine_map<(d0, d1) -> (0, 0)>
module attributes {stable_mosaic.version = 14 : i64} {
  func.func @_sc_adj_kernel(%arg0: i32, %arg1: i32, %arg2: memref<2x2048xi32, #tpu.memory_space<hbm>>, %arg3: memref<1x16384xf32, #tpu.memory_space<hbm>>, %arg4: memref<128xi32, #tpu.memory_space<vmem>>, %arg5: memref<128xi32, #tpu.memory_space<vmem>>, %arg6: memref<128xi32, #tpu.memory_space<vmem>>, %arg7: memref<128xf32, #tpu.memory_space<vmem>>, %arg8: memref<1024xf32, #tpu.memory_space<vmem>>, %arg9: memref<16384xf32, #tpu.memory_space<vmem_shared>>) attributes {dimension_semantics = [#tpu.dimension_semantics<core_parallel>, #tpu.dimension_semantics<subcore_parallel>], iteration_bounds = array<i64: 1, 16>, scalar_prefetch = 0 : i64, scratch_operands = 6 : i64, tpu.core_type = #tpu.core_type<sc_vector_subcore>, window_params = [{transform_indices = #map}, {transform_indices = #map}]} {
    %mul3A = arith.constant 1 : i32
    %mul3A_0 = arith.muli %arg1, %mul3A : i32
    %add3A = arith.addi %mul3A_0, %arg0 : i32
    %mul3A_1 = arith.constant 128 : i32
    %mul3A_2 = arith.muli %add3A, %mul3A_1 : i32
    %run_scoped3A = arith.constant 0 : i32
    "tpu.region"() ({
      %run_scoped3A_161 = tpu.sem_alloc : memref<!tpu.dma_semaphore, #tpu.memory_space<semaphore_mem>>
      %dma_start3A = tpu.memref_slice %arg2[%run_scoped3A, %mul3A_2] : memref<2x2048xi32, #tpu.memory_space<hbm>> -> memref<1x128xi32, #tpu.memory_space<hbm>>
      %dma_start3A_162 = tpu.memref_squeeze %dma_start3A : memref<1x128xi32, #tpu.memory_space<hbm>> -> memref<128xi32, #tpu.memory_space<hbm>>
      %dma_start3A_163 = tpu.memref_slice %arg2[%run_scoped3A, %mul3A_2] : memref<2x2048xi32, #tpu.memory_space<hbm>> -> memref<1x128xi32, #tpu.memory_space<hbm>>
      %dma_start3A_164 = tpu.memref_squeeze %dma_start3A_163 : memref<1x128xi32, #tpu.memory_space<hbm>> -> memref<128xi32, #tpu.memory_space<hbm>>
      tpu.enqueue_dma source(%dma_start3A_164 : memref<128xi32, #tpu.memory_space<hbm>>) target(%arg4 : memref<128xi32, #tpu.memory_space<vmem>>) target_semaphore(%run_scoped3A_161 : memref<!tpu.dma_semaphore, #tpu.memory_space<semaphore_mem>>)
      %dma_wait3A = tpu.memref_slice %arg2[%run_scoped3A, %mul3A_2] : memref<2x2048xi32, #tpu.memory_space<hbm>> -> memref<1x128xi32, #tpu.memory_space<hbm>>
      %dma_wait3A_165 = tpu.memref_squeeze %dma_wait3A : memref<1x128xi32, #tpu.memory_space<hbm>> -> memref<128xi32, #tpu.memory_space<hbm>>
      %dma_wait3A_166 = tpu.memref_slice %arg2[%run_scoped3A, %mul3A_2] : memref<2x2048xi32, #tpu.memory_space<hbm>> -> memref<1x128xi32, #tpu.memory_space<hbm>>
      %dma_wait3A_167 = tpu.memref_squeeze %dma_wait3A_166 : memref<1x128xi32, #tpu.memory_space<hbm>> -> memref<128xi32, #tpu.memory_space<hbm>>
      tpu.wait_dma2 semaphore(%run_scoped3A_161 : memref<!tpu.dma_semaphore, #tpu.memory_space<semaphore_mem>>) src(%dma_wait3A_167 : memref<128xi32, #tpu.memory_space<hbm>>) dst(%arg4 : memref<128xi32, #tpu.memory_space<vmem>>)
      tpu.yield
    }) : () -> ()
    %run_scoped3A_3 = arith.constant 1 : i32
    "tpu.region"() ({
      %run_scoped3A_161 = tpu.sem_alloc : memref<!tpu.dma_semaphore, #tpu.memory_space<semaphore_mem>>
      %dma_start3A = tpu.memref_slice %arg2[%run_scoped3A_3, %mul3A_2] : memref<2x2048xi32, #tpu.memory_space<hbm>> -> memref<1x128xi32, #tpu.memory_space<hbm>>
      %dma_start3A_162 = tpu.memref_squeeze %dma_start3A : memref<1x128xi32, #tpu.memory_space<hbm>> -> memref<128xi32, #tpu.memory_space<hbm>>
      %dma_start3A_163 = tpu.memref_slice %arg2[%run_scoped3A_3, %mul3A_2] : memref<2x2048xi32, #tpu.memory_space<hbm>> -> memref<1x128xi32, #tpu.memory_space<hbm>>
      %dma_start3A_164 = tpu.memref_squeeze %dma_start3A_163 : memref<1x128xi32, #tpu.memory_space<hbm>> -> memref<128xi32, #tpu.memory_space<hbm>>
      tpu.enqueue_dma source(%dma_start3A_164 : memref<128xi32, #tpu.memory_space<hbm>>) target(%arg5 : memref<128xi32, #tpu.memory_space<vmem>>) target_semaphore(%run_scoped3A_161 : memref<!tpu.dma_semaphore, #tpu.memory_space<semaphore_mem>>)
      %dma_wait3A = tpu.memref_slice %arg2[%run_scoped3A_3, %mul3A_2] : memref<2x2048xi32, #tpu.memory_space<hbm>> -> memref<1x128xi32, #tpu.memory_space<hbm>>
      %dma_wait3A_165 = tpu.memref_squeeze %dma_wait3A : memref<1x128xi32, #tpu.memory_space<hbm>> -> memref<128xi32, #tpu.memory_space<hbm>>
      %dma_wait3A_166 = tpu.memref_slice %arg2[%run_scoped3A_3, %mul3A_2] : memref<2x2048xi32, #tpu.memory_space<hbm>> -> memref<1x128xi32, #tpu.memory_space<hbm>>
      %dma_wait3A_167 = tpu.memref_squeeze %dma_wait3A_166 : memref<1x128xi32, #tpu.memory_space<hbm>> -> memref<128xi32, #tpu.memory_space<hbm>>
      tpu.wait_dma2 semaphore(%run_scoped3A_161 : memref<!tpu.dma_semaphore, #tpu.memory_space<semaphore_mem>>) src(%dma_wait3A_167 : memref<128xi32, #tpu.memory_space<hbm>>) dst(%arg5 : memref<128xi32, #tpu.memory_space<vmem>>)
      tpu.yield
    }) : () -> ()
    %broadcast_in_dim3A = arith.constant 1.000000e+00 : f32
    %broadcast_in_dim3A_4 = vector.broadcast %broadcast_in_dim3A : f32 to vector<16xf32>
    %get3A = arith.constant 0 : index
    %get3A_5 = tpu.vector_load %arg5[%get3A] {strides = array<i32>} : memref<128xi32, #tpu.memory_space<vmem>>, vector<16xi32>,
    %get3A_6 = vector.shape_cast %get3A_5 : vector<16xi32> to vector<16xi32>
    %mul3A_7 = arith.constant 128 : i32
    %mul3A_8 = vector.broadcast %mul3A_7 : i32 to vector<16xi32>
    %mul3A_9 = arith.muli %get3A_6, %mul3A_8 : vector<16xi32>
    %get3A_10 = arith.constant 0 : index
    %get3A_11 = tpu.vector_load %arg4[%get3A_10] {strides = array<i32>} : memref<128xi32, #tpu.memory_space<vmem>>, vector<16xi32>,
    %get3A_12 = vector.shape_cast %get3A_11 : vector<16xi32> to vector<16xi32>
    %add3A_13 = arith.addi %mul3A_9, %get3A_12 : vector<16xi32>
    %swap3A = arith.constant 0 : index
    %swap3A_14 = tpu.vector_load %arg6[%swap3A] {strides = array<i32>} : memref<128xi32, #tpu.memory_space<vmem>>, vector<16xi32>,
    %swap3A_15 = vector.shape_cast %swap3A_14 : vector<16xi32> to vector<16xi32>
    %swap3A_16 = vector.shape_cast %add3A_13 : vector<16xi32> to vector<16xi32>
    tpu.vector_store %arg6[%swap3A], %swap3A_16 {strides = array<i32>} : memref<128xi32, #tpu.memory_space<vmem>>, vector<16xi32>,
    %swap3A_17 = arith.constant 0 : index
    %swap3A_18 = tpu.vector_load %arg7[%swap3A_17] {strides = array<i32>} : memref<128xf32, #tpu.memory_space<vmem>>, vector<16xf32>,
    %swap3A_19 = vector.shape_cast %swap3A_18 : vector<16xf32> to vector<16xf32>
    %swap3A_20 = vector.shape_cast %broadcast_in_dim3A_4 : vector<16xf32> to vector<16xf32>
    tpu.vector_store %arg7[%swap3A_17], %swap3A_20 {strides = array<i32>} : memref<128xf32, #tpu.memory_space<vmem>>, vector<16xf32>,
    %get3A_21 = arith.constant 16 : index
    %get3A_22 = tpu.vector_load %arg5[%get3A_21] {strides = array<i32>} : memref<128xi32, #tpu.memory_space<vmem>>, vector<16xi32>,
    %get3A_23 = vector.shape_cast %get3A_22 : vector<16xi32> to vector<16xi32>
    %mul3A_24 = arith.constant 128 : i32
    %mul3A_25 = vector.broadcast %mul3A_24 : i32 to vector<16xi32>
    %mul3A_26 = arith.muli %get3A_23, %mul3A_25 : vector<16xi32>
    %get3A_27 = arith.constant 16 : index
    %get3A_28 = tpu.vector_load %arg4[%get3A_27] {strides = array<i32>} : memref<128xi32, #tpu.memory_space<vmem>>, vector<16xi32>,
    %get3A_29 = vector.shape_cast %get3A_28 : vector<16xi32> to vector<16xi32>
    %add3A_30 = arith.addi %mul3A_26, %get3A_29 : vector<16xi32>
    %swap3A_31 = arith.constant 16 : index
    %swap3A_32 = tpu.vector_load %arg6[%swap3A_31] {strides = array<i32>} : memref<128xi32, #tpu.memory_space<vmem>>, vector<16xi32>,
    %swap3A_33 = vector.shape_cast %swap3A_32 : vector<16xi32> to vector<16xi32>
    %swap3A_34 = vector.shape_cast %add3A_30 : vector<16xi32> to vector<16xi32>
    tpu.vector_store %arg6[%swap3A_31], %swap3A_34 {strides = array<i32>} : memref<128xi32, #tpu.memory_space<vmem>>, vector<16xi32>,
    %swap3A_35 = arith.constant 16 : index
    %swap3A_36 = tpu.vector_load %arg7[%swap3A_35] {strides = array<i32>} : memref<128xf32, #tpu.memory_space<vmem>>, vector<16xf32>,
    %swap3A_37 = vector.shape_cast %swap3A_36 : vector<16xf32> to vector<16xf32>
    %swap3A_38 = vector.shape_cast %broadcast_in_dim3A_4 : vector<16xf32> to vector<16xf32>
    tpu.vector_store %arg7[%swap3A_35], %swap3A_38 {strides = array<i32>} : memref<128xf32, #tpu.memory_space<vmem>>, vector<16xf32>,
    %get3A_39 = arith.constant 32 : index
    %get3A_40 = tpu.vector_load %arg5[%get3A_39] {strides = array<i32>} : memref<128xi32, #tpu.memory_space<vmem>>, vector<16xi32>,
    %get3A_41 = vector.shape_cast %get3A_40 : vector<16xi32> to vector<16xi32>
    %mul3A_42 = arith.constant 128 : i32
    %mul3A_43 = vector.broadcast %mul3A_42 : i32 to vector<16xi32>
    %mul3A_44 = arith.muli %get3A_41, %mul3A_43 : vector<16xi32>
    %get3A_45 = arith.constant 32 : index
    %get3A_46 = tpu.vector_load %arg4[%get3A_45] {strides = array<i32>} : memref<128xi32, #tpu.memory_space<vmem>>, vector<16xi32>,
    %get3A_47 = vector.shape_cast %get3A_46 : vector<16xi32> to vector<16xi32>
    %add3A_48 = arith.addi %mul3A_44, %get3A_47 : vector<16xi32>
    %swap3A_49 = arith.constant 32 : index
    %swap3A_50 = tpu.vector_load %arg6[%swap3A_49] {strides = array<i32>} : memref<128xi32, #tpu.memory_space<vmem>>, vector<16xi32>,
    %swap3A_51 = vector.shape_cast %swap3A_50 : vector<16xi32> to vector<16xi32>
    %swap3A_52 = vector.shape_cast %add3A_48 : vector<16xi32> to vector<16xi32>
    tpu.vector_store %arg6[%swap3A_49], %swap3A_52 {strides = array<i32>} : memref<128xi32, #tpu.memory_space<vmem>>, vector<16xi32>,
    %swap3A_53 = arith.constant 32 : index
    %swap3A_54 = tpu.vector_load %arg7[%swap3A_53] {strides = array<i32>} : memref<128xf32, #tpu.memory_space<vmem>>, vector<16xf32>,
    %swap3A_55 = vector.shape_cast %swap3A_54 : vector<16xf32> to vector<16xf32>
    %swap3A_56 = vector.shape_cast %broadcast_in_dim3A_4 : vector<16xf32> to vector<16xf32>
    tpu.vector_store %arg7[%swap3A_53], %swap3A_56 {strides = array<i32>} : memref<128xf32, #tpu.memory_space<vmem>>, vector<16xf32>,
    %get3A_57 = arith.constant 48 : index
    %get3A_58 = tpu.vector_load %arg5[%get3A_57] {strides = array<i32>} : memref<128xi32, #tpu.memory_space<vmem>>, vector<16xi32>,
    %get3A_59 = vector.shape_cast %get3A_58 : vector<16xi32> to vector<16xi32>
    %mul3A_60 = arith.constant 128 : i32
    %mul3A_61 = vector.broadcast %mul3A_60 : i32 to vector<16xi32>
    %mul3A_62 = arith.muli %get3A_59, %mul3A_61 : vector<16xi32>
    %get3A_63 = arith.constant 48 : index
    %get3A_64 = tpu.vector_load %arg4[%get3A_63] {strides = array<i32>} : memref<128xi32, #tpu.memory_space<vmem>>, vector<16xi32>,
    %get3A_65 = vector.shape_cast %get3A_64 : vector<16xi32> to vector<16xi32>
    %add3A_66 = arith.addi %mul3A_62, %get3A_65 : vector<16xi32>
    %swap3A_67 = arith.constant 48 : index
    %swap3A_68 = tpu.vector_load %arg6[%swap3A_67] {strides = array<i32>} : memref<128xi32, #tpu.memory_space<vmem>>, vector<16xi32>,
    %swap3A_69 = vector.shape_cast %swap3A_68 : vector<16xi32> to vector<16xi32>
    %swap3A_70 = vector.shape_cast %add3A_66 : vector<16xi32> to vector<16xi32>
    tpu.vector_store %arg6[%swap3A_67], %swap3A_70 {strides = array<i32>} : memref<128xi32, #tpu.memory_space<vmem>>, vector<16xi32>,
    %swap3A_71 = arith.constant 48 : index
    %swap3A_72 = tpu.vector_load %arg7[%swap3A_71] {strides = array<i32>} : memref<128xf32, #tpu.memory_space<vmem>>, vector<16xf32>,
    %swap3A_73 = vector.shape_cast %swap3A_72 : vector<16xf32> to vector<16xf32>
    %swap3A_74 = vector.shape_cast %broadcast_in_dim3A_4 : vector<16xf32> to vector<16xf32>
    tpu.vector_store %arg7[%swap3A_71], %swap3A_74 {strides = array<i32>} : memref<128xf32, #tpu.memory_space<vmem>>, vector<16xf32>,
    %get3A_75 = arith.constant 64 : index
    %get3A_76 = tpu.vector_load %arg5[%get3A_75] {strides = array<i32>} : memref<128xi32, #tpu.memory_space<vmem>>, vector<16xi32>,
    %get3A_77 = vector.shape_cast %get3A_76 : vector<16xi32> to vector<16xi32>
    %mul3A_78 = arith.constant 128 : i32
    %mul3A_79 = vector.broadcast %mul3A_78 : i32 to vector<16xi32>
    %mul3A_80 = arith.muli %get3A_77, %mul3A_79 : vector<16xi32>
    %get3A_81 = arith.constant 64 : index
    %get3A_82 = tpu.vector_load %arg4[%get3A_81] {strides = array<i32>} : memref<128xi32, #tpu.memory_space<vmem>>, vector<16xi32>,
    %get3A_83 = vector.shape_cast %get3A_82 : vector<16xi32> to vector<16xi32>
    %add3A_84 = arith.addi %mul3A_80, %get3A_83 : vector<16xi32>
    %swap3A_85 = arith.constant 64 : index
    %swap3A_86 = tpu.vector_load %arg6[%swap3A_85] {strides = array<i32>} : memref<128xi32, #tpu.memory_space<vmem>>, vector<16xi32>,
    %swap3A_87 = vector.shape_cast %swap3A_86 : vector<16xi32> to vector<16xi32>
    %swap3A_88 = vector.shape_cast %add3A_84 : vector<16xi32> to vector<16xi32>
    tpu.vector_store %arg6[%swap3A_85], %swap3A_88 {strides = array<i32>} : memref<128xi32, #tpu.memory_space<vmem>>, vector<16xi32>,
    %swap3A_89 = arith.constant 64 : index
    %swap3A_90 = tpu.vector_load %arg7[%swap3A_89] {strides = array<i32>} : memref<128xf32, #tpu.memory_space<vmem>>, vector<16xf32>,
    %swap3A_91 = vector.shape_cast %swap3A_90 : vector<16xf32> to vector<16xf32>
    %swap3A_92 = vector.shape_cast %broadcast_in_dim3A_4 : vector<16xf32> to vector<16xf32>
    tpu.vector_store %arg7[%swap3A_89], %swap3A_92 {strides = array<i32>} : memref<128xf32, #tpu.memory_space<vmem>>, vector<16xf32>,
    %get3A_93 = arith.constant 80 : index
    %get3A_94 = tpu.vector_load %arg5[%get3A_93] {strides = array<i32>} : memref<128xi32, #tpu.memory_space<vmem>>, vector<16xi32>,
    %get3A_95 = vector.shape_cast %get3A_94 : vector<16xi32> to vector<16xi32>
    %mul3A_96 = arith.constant 128 : i32
    %mul3A_97 = vector.broadcast %mul3A_96 : i32 to vector<16xi32>
    %mul3A_98 = arith.muli %get3A_95, %mul3A_97 : vector<16xi32>
    %get3A_99 = arith.constant 80 : index
    %get3A_100 = tpu.vector_load %arg4[%get3A_99] {strides = array<i32>} : memref<128xi32, #tpu.memory_space<vmem>>, vector<16xi32>,
    %get3A_101 = vector.shape_cast %get3A_100 : vector<16xi32> to vector<16xi32>
    %add3A_102 = arith.addi %mul3A_98, %get3A_101 : vector<16xi32>
    %swap3A_103 = arith.constant 80 : index
    %swap3A_104 = tpu.vector_load %arg6[%swap3A_103] {strides = array<i32>} : memref<128xi32, #tpu.memory_space<vmem>>, vector<16xi32>,
    %swap3A_105 = vector.shape_cast %swap3A_104 : vector<16xi32> to vector<16xi32>
    %swap3A_106 = vector.shape_cast %add3A_102 : vector<16xi32> to vector<16xi32>
    tpu.vector_store %arg6[%swap3A_103], %swap3A_106 {strides = array<i32>} : memref<128xi32, #tpu.memory_space<vmem>>, vector<16xi32>,
    %swap3A_107 = arith.constant 80 : index
    %swap3A_108 = tpu.vector_load %arg7[%swap3A_107] {strides = array<i32>} : memref<128xf32, #tpu.memory_space<vmem>>, vector<16xf32>,
    %swap3A_109 = vector.shape_cast %swap3A_108 : vector<16xf32> to vector<16xf32>
    %swap3A_110 = vector.shape_cast %broadcast_in_dim3A_4 : vector<16xf32> to vector<16xf32>
    tpu.vector_store %arg7[%swap3A_107], %swap3A_110 {strides = array<i32>} : memref<128xf32, #tpu.memory_space<vmem>>, vector<16xf32>,
    %get3A_111 = arith.constant 96 : index
    %get3A_112 = tpu.vector_load %arg5[%get3A_111] {strides = array<i32>} : memref<128xi32, #tpu.memory_space<vmem>>, vector<16xi32>,
    %get3A_113 = vector.shape_cast %get3A_112 : vector<16xi32> to vector<16xi32>
    %mul3A_114 = arith.constant 128 : i32
    %mul3A_115 = vector.broadcast %mul3A_114 : i32 to vector<16xi32>
    %mul3A_116 = arith.muli %get3A_113, %mul3A_115 : vector<16xi32>
    %get3A_117 = arith.constant 96 : index
    %get3A_118 = tpu.vector_load %arg4[%get3A_117] {strides = array<i32>} : memref<128xi32, #tpu.memory_space<vmem>>, vector<16xi32>,
    %get3A_119 = vector.shape_cast %get3A_118 : vector<16xi32> to vector<16xi32>
    %add3A_120 = arith.addi %mul3A_116, %get3A_119 : vector<16xi32>
    %swap3A_121 = arith.constant 96 : index
    %swap3A_122 = tpu.vector_load %arg6[%swap3A_121] {strides = array<i32>} : memref<128xi32, #tpu.memory_space<vmem>>, vector<16xi32>,
    %swap3A_123 = vector.shape_cast %swap3A_122 : vector<16xi32> to vector<16xi32>
    %swap3A_124 = vector.shape_cast %add3A_120 : vector<16xi32> to vector<16xi32>
    tpu.vector_store %arg6[%swap3A_121], %swap3A_124 {strides = array<i32>} : memref<128xi32, #tpu.memory_space<vmem>>, vector<16xi32>,
    %swap3A_125 = arith.constant 96 : index
    %swap3A_126 = tpu.vector_load %arg7[%swap3A_125] {strides = array<i32>} : memref<128xf32, #tpu.memory_space<vmem>>, vector<16xf32>,
    %swap3A_127 = vector.shape_cast %swap3A_126 : vector<16xf32> to vector<16xf32>
    %swap3A_128 = vector.shape_cast %broadcast_in_dim3A_4 : vector<16xf32> to vector<16xf32>
    tpu.vector_store %arg7[%swap3A_125], %swap3A_128 {strides = array<i32>} : memref<128xf32, #tpu.memory_space<vmem>>, vector<16xf32>,
    %get3A_129 = arith.constant 112 : index
    %get3A_130 = tpu.vector_load %arg5[%get3A_129] {strides = array<i32>} : memref<128xi32, #tpu.memory_space<vmem>>, vector<16xi32>,
    %get3A_131 = vector.shape_cast %get3A_130 : vector<16xi32> to vector<16xi32>
    %mul3A_132 = arith.constant 128 : i32
    %mul3A_133 = vector.broadcast %mul3A_132 : i32 to vector<16xi32>
    %mul3A_134 = arith.muli %get3A_131, %mul3A_133 : vector<16xi32>
    %get3A_135 = arith.constant 112 : index
    %get3A_136 = tpu.vector_load %arg4[%get3A_135] {strides = array<i32>} : memref<128xi32, #tpu.memory_space<vmem>>, vector<16xi32>,
    %get3A_137 = vector.shape_cast %get3A_136 : vector<16xi32> to vector<16xi32>
    %add3A_138 = arith.addi %mul3A_134, %get3A_137 : vector<16xi32>
    %swap3A_139 = arith.constant 112 : index
    %swap3A_140 = tpu.vector_load %arg6[%swap3A_139] {strides = array<i32>} : memref<128xi32, #tpu.memory_space<vmem>>, vector<16xi32>,
    %swap3A_141 = vector.shape_cast %swap3A_140 : vector<16xi32> to vector<16xi32>
    %swap3A_142 = vector.shape_cast %add3A_138 : vector<16xi32> to vector<16xi32>
    tpu.vector_store %arg6[%swap3A_139], %swap3A_142 {strides = array<i32>} : memref<128xi32, #tpu.memory_space<vmem>>, vector<16xi32>,
    %swap3A_143 = arith.constant 112 : index
    %swap3A_144 = tpu.vector_load %arg7[%swap3A_143] {strides = array<i32>} : memref<128xf32, #tpu.memory_space<vmem>>, vector<16xf32>,
    %swap3A_145 = vector.shape_cast %swap3A_144 : vector<16xf32> to vector<16xf32>
    %swap3A_146 = vector.shape_cast %broadcast_in_dim3A_4 : vector<16xf32> to vector<16xf32>
    tpu.vector_store %arg7[%swap3A_143], %swap3A_146 {strides = array<i32>} : memref<128xf32, #tpu.memory_space<vmem>>, vector<16xf32>,
    %broadcast_in_dim3A_147 = arith.constant 0.000000e+00 : f32
    %broadcast_in_dim3A_148 = vector.broadcast %broadcast_in_dim3A_147 : f32 to vector<16xf32>
    %scan3A = arith.constant 0 : i32
    %scan3A_149 = arith.constant 0 : i32
    %scan3A_150 = arith.constant 64 : i32
    %scan3A_151 = arith.addi %scan3A_149, %scan3A_150 : i32
    %scan3A_152 = arith.constant 1 : i32
    scf.for %scan3A_161 = %scan3A_149 to %scan3A_151 step %scan3A_152  : i32 {
      %mul3A_162 = arith.constant 16 : i32
      %mul3A_163 = arith.muli %scan3A_161, %mul3A_162 : i32
      %swap3A_164 = arith.index_cast %mul3A_163 : i32 to index
      %swap3A_165 = tpu.vector_load %arg8[%swap3A_164] {strides = array<i32>} : memref<1024xf32, #tpu.memory_space<vmem>>, vector<16xf32>,
      %swap3A_166 = vector.shape_cast %swap3A_165 : vector<16xf32> to vector<16xf32>
      %swap3A_167 = vector.shape_cast %broadcast_in_dim3A_148 : vector<16xf32> to vector<16xf32>
      tpu.vector_store %arg8[%swap3A_164], %swap3A_167 {strides = array<i32>} : memref<1024xf32, #tpu.memory_space<vmem>>, vector<16xf32>,
    }
    %scan3A_153 = arith.constant 64 : i32
    %mul3A_154 = arith.constant 1024 : i32
    %mul3A_155 = arith.muli %arg1, %mul3A_154 : i32
    "tpu.region"() ({
      %run_scoped3A_161 = tpu.sem_alloc : memref<!tpu.dma_semaphore, #tpu.memory_space<semaphore_mem>>
      %dma_start3A = tpu.memref_slice %arg9[%mul3A_155] : memref<16384xf32, #tpu.memory_space<vmem_shared>> -> memref<1024xf32, #tpu.memory_space<vmem_shared>>
      %dma_start3A_162 = tpu.memref_slice %arg9[%mul3A_155] : memref<16384xf32, #tpu.memory_space<vmem_shared>> -> memref<1024xf32, #tpu.memory_space<vmem_shared>>
      tpu.enqueue_dma source(%arg8 : memref<1024xf32, #tpu.memory_space<vmem>>) target(%dma_start3A_162 : memref<1024xf32, #tpu.memory_space<vmem_shared>>) target_semaphore(%run_scoped3A_161 : memref<!tpu.dma_semaphore, #tpu.memory_space<semaphore_mem>>)
      %dma_wait3A = tpu.memref_slice %arg9[%mul3A_155] : memref<16384xf32, #tpu.memory_space<vmem_shared>> -> memref<1024xf32, #tpu.memory_space<vmem_shared>>
      %dma_wait3A_163 = tpu.memref_slice %arg9[%mul3A_155] : memref<16384xf32, #tpu.memory_space<vmem_shared>> -> memref<1024xf32, #tpu.memory_space<vmem_shared>>
      tpu.wait_dma2 semaphore(%run_scoped3A_161 : memref<!tpu.dma_semaphore, #tpu.memory_space<semaphore_mem>>) src(%arg8 : memref<1024xf32, #tpu.memory_space<vmem>>) dst(%dma_wait3A_163 : memref<1024xf32, #tpu.memory_space<vmem_shared>>)
      tpu.yield
    }) : () -> ()
    %barrier3A = arith.constant 0 : index
    tpu.barrier barrier_id(%barrier3A)
    "tpu.region"() ({
      %run_scoped3A_161 = tpu.sem_alloc : memref<!tpu.dma_semaphore, #tpu.memory_space<semaphore_mem>>
      %dma_start3A = arith.constant 0 : i32
      %dma_start3A_162 = tpu.memref_slice %arg9[%dma_start3A] : memref<16384xf32, #tpu.memory_space<vmem_shared>> -> memref<16384xf32, #tpu.memory_space<vmem_shared>>
      tpu.enqueue_indirect_dma source(%arg7 : memref<128xf32, #tpu.memory_space<vmem>>) target(%dma_start3A_162 : memref<16384xf32, #tpu.memory_space<vmem_shared>>) offsets(%arg6 : memref<128xi32, #tpu.memory_space<vmem>>) semaphore(%run_scoped3A_161 : memref<!tpu.dma_semaphore, #tpu.memory_space<semaphore_mem>>) {add = true}
      %dma_wait3A = arith.constant 0 : i32
      %dma_wait3A_163 = tpu.memref_slice %arg9[%dma_wait3A] : memref<16384xf32, #tpu.memory_space<vmem_shared>> -> memref<16384xf32, #tpu.memory_space<vmem_shared>>
      tpu.wait_indirect_dma semaphore(%run_scoped3A_161 : memref<!tpu.dma_semaphore, #tpu.memory_space<semaphore_mem>>) src(%arg7 : memref<128xf32, #tpu.memory_space<vmem>>) dst(%dma_wait3A_163 : memref<16384xf32, #tpu.memory_space<vmem_shared>>)
      tpu.yield
    }) : () -> ()
    %barrier3A_156 = arith.constant 0 : index
    tpu.barrier barrier_id(%barrier3A_156)
    %mul3A_157 = arith.constant 1024 : i32
    %mul3A_158 = arith.muli %arg1, %mul3A_157 : i32
    %mul3A_159 = arith.constant 1024 : i32
    %mul3A_160 = arith.muli %arg1, %mul3A_159 : i32
    "tpu.region"() ({
      %run_scoped3A_161 = tpu.sem_alloc : memref<!tpu.dma_semaphore, #tpu.memory_space<semaphore_mem>>
      %dma_start3A = tpu.memref_slice %arg3[%arg0, %mul3A_160] : memref<1x16384xf32, #tpu.memory_space<hbm>> -> memref<1x1024xf32, #tpu.memory_space<hbm>>
      %dma_start3A_162 = tpu.memref_squeeze %dma_start3A : memref<1x1024xf32, #tpu.memory_space<hbm>> -> memref<1024xf32, #tpu.memory_space<hbm>>
      %dma_start3A_163 = tpu.memref_slice %arg9[%mul3A_158] : memref<16384xf32, #tpu.memory_space<vmem_shared>> -> memref<1024xf32, #tpu.memory_space<vmem_shared>>
      tpu.enqueue_dma source(%dma_start3A_163 : memref<1024xf32, #tpu.memory_space<vmem_shared>>) target(%dma_start3A_162 : memref<1024xf32, #tpu.memory_space<hbm>>) target_semaphore(%run_scoped3A_161 : memref<!tpu.dma_semaphore, #tpu.memory_space<semaphore_mem>>)
      %dma_wait3A = tpu.memref_slice %arg3[%arg0, %mul3A_160] : memref<1x16384xf32, #tpu.memory_space<hbm>> -> memref<1x1024xf32, #tpu.memory_space<hbm>>
      %dma_wait3A_164 = tpu.memref_squeeze %dma_wait3A : memref<1x1024xf32, #tpu.memory_space<hbm>> -> memref<1024xf32, #tpu.memory_space<hbm>>
      %dma_wait3A_165 = tpu.memref_slice %arg9[%mul3A_158] : memref<16384xf32, #tpu.memory_space<vmem_shared>> -> memref<1024xf32, #tpu.memory_space<vmem_shared>>
      tpu.wait_dma2 semaphore(%run_scoped3A_161 : memref<!tpu.dma_semaphore, #tpu.memory_space<semaphore_mem>>) src(%dma_wait3A_165 : memref<1024xf32, #tpu.memory_space<vmem_shared>>) dst(%dma_wait3A_164 : memref<1024xf32, #tpu.memory_space<hbm>>)
      tpu.yield
    }) : () -> ()
    return
  }
}

module attributes {stable_mosaic.version = 14 : i64} {
  func.func @_gcn_kernel(%arg0: memref<1x128x128xf32, #tpu.memory_space<vmem>>, %arg1: memref<66x9xf32, #tpu.memory_space<vmem>>, %arg2: memref<200x9xf32, #tpu.memory_space<vmem>>, %arg3: memref<1x200xf32, #tpu.memory_space<vmem>>, %arg4: memref<200x200xf32, #tpu.memory_space<vmem>>, %arg5: memref<1x200xf32, #tpu.memory_space<vmem>>, %arg6: memref<200x200xf32, #tpu.memory_space<vmem>>, %arg7: memref<1x200xf32, #tpu.memory_space<vmem>>, %arg8: memref<200x200xf32, #tpu.memory_space<vmem>>, %arg9: memref<1x200xf32, #tpu.memory_space<vmem>>, %arg10: memref<1x4400xf32, #tpu.memory_space<vmem>>, %arg11: memref<1x1xf32, #tpu.memory_space<vmem>>, %arg12: memref<3x1xf32, #tpu.memory_space<vmem>>) attributes {dimension_semantics = [], scalar_prefetch = 0 : i64, scratch_operands = 0 : i64, tpu.core_type = #tpu.core_type<tc>} {
    %get3A = arith.constant 0 : index
    %get3A_0 = arith.constant 0 : index
    %get3A_1 = arith.constant 0 : index
    %get3A_2 = vector.load %arg0[%get3A, %get3A_0, %get3A_1] : memref<1x128x128xf32, #tpu.memory_space<vmem>>, vector<1x128x128xf32>
    %get3A_3 = vector.shape_cast %get3A_2 : vector<1x128x128xf32> to vector<128x128xf32>
    %get3A_4 = arith.constant 0 : index
    %get3A_5 = arith.constant 0 : index
    %get3A_6 = vector.load %arg1[%get3A_4, %get3A_5] : memref<66x9xf32, #tpu.memory_space<vmem>>, vector<66x9xf32>
    %broadcast_in_dim3A = arith.constant 0.000000e+00 : f32
    %broadcast_in_dim3A_7 = vector.broadcast %broadcast_in_dim3A : f32 to vector<62x9xf32>
    %concatenate3A = tpu.concatenate %get3A_6, %broadcast_in_dim3A_7 in 0 : vector<66x9xf32>, vector<62x9xf32> -> vector<128x9xf32>
    %get3A_8 = arith.constant 0 : index
    %get3A_9 = arith.constant 0 : index
    %get3A_10 = vector.load %arg2[%get3A_8, %get3A_9] : memref<200x9xf32, #tpu.memory_space<vmem>>, vector<200x9xf32>
    %dot_general3A = arith.constant dense<0.000000e+00> : vector<128x200xf32>
    %dot_general3A_11 = tpu.matmul %concatenate3A, %get3A_10, %dot_general3A {dimension_numbers = #tpu.dot_dimension_numbers<[1], [1], [0], [0], [0, 0, 1, 0], [], []>, precision = #tpu.contract_precision<fp32>, transpose_lhs_hint = false} : vector<128x9xf32>, vector<200x9xf32>, vector<128x200xf32> -> vector<128x200xf32>
    %get3A_12 = arith.constant 0 : index
    %get3A_13 = arith.constant 0 : index
    %get3A_14 = vector.load %arg3[%get3A_12, %get3A_13] : memref<1x200xf32, #tpu.memory_space<vmem>>, vector<1x200xf32>
    %add3A = vector.broadcast %get3A_14 : vector<1x200xf32> to vector<128x200xf32>
    %add3A_15 = arith.addf %dot_general3A_11, %add3A : vector<128x200xf32>
    %max3A = arith.constant 0.000000e+00 : f32
    %max3A_16 = vector.broadcast %max3A : f32 to vector<128x200xf32>
    %max3A_17 = arith.maximumf %add3A_15, %max3A_16 : vector<128x200xf32>
    %dot_general3A_18 = arith.constant dense<0.000000e+00> : vector<128x200xf32>
    %dot_general3A_19 = tpu.matmul %get3A_3, %max3A_17, %dot_general3A_18 {dimension_numbers = #tpu.dot_dimension_numbers<[1], [0], [0], [1], [0, 0, 1, 1], [], []>, transpose_lhs_hint = false} : vector<128x128xf32>, vector<128x200xf32>, vector<128x200xf32> -> vector<128x200xf32>
    %get3A_20 = arith.constant 0 : index
    %get3A_21 = arith.constant 0 : index
    %get3A_22 = vector.load %arg4[%get3A_20, %get3A_21] : memref<200x200xf32, #tpu.memory_space<vmem>>, vector<200x200xf32>
    %dot_general3A_23 = arith.constant dense<0.000000e+00> : vector<128x200xf32>
    %dot_general3A_24 = tpu.matmul %dot_general3A_19, %get3A_22, %dot_general3A_23 {dimension_numbers = #tpu.dot_dimension_numbers<[1], [1], [0], [0], [0, 0, 1, 0], [], []>, transpose_lhs_hint = false} : vector<128x200xf32>, vector<200x200xf32>, vector<128x200xf32> -> vector<128x200xf32>
    %get3A_25 = arith.constant 0 : index
    %get3A_26 = arith.constant 0 : index
    %get3A_27 = vector.load %arg5[%get3A_25, %get3A_26] : memref<1x200xf32, #tpu.memory_space<vmem>>, vector<1x200xf32>
    %add3A_28 = vector.broadcast %get3A_27 : vector<1x200xf32> to vector<128x200xf32>
    %add3A_29 = arith.addf %dot_general3A_24, %add3A_28 : vector<128x200xf32>
    %max3A_30 = arith.constant 0.000000e+00 : f32
    %max3A_31 = vector.broadcast %max3A_30 : f32 to vector<128x200xf32>
    %max3A_32 = arith.maximumf %add3A_29, %max3A_31 : vector<128x200xf32>
    %dot_general3A_33 = arith.constant dense<0.000000e+00> : vector<128x200xf32>
    %dot_general3A_34 = tpu.matmul %get3A_3, %max3A_32, %dot_general3A_33 {dimension_numbers = #tpu.dot_dimension_numbers<[1], [0], [0], [1], [0, 0, 1, 1], [], []>, transpose_lhs_hint = false} : vector<128x128xf32>, vector<128x200xf32>, vector<128x200xf32> -> vector<128x200xf32>
    %get3A_35 = arith.constant 0 : index
    %get3A_36 = arith.constant 0 : index
    %get3A_37 = vector.load %arg6[%get3A_35, %get3A_36] : memref<200x200xf32, #tpu.memory_space<vmem>>, vector<200x200xf32>
    %dot_general3A_38 = arith.constant dense<0.000000e+00> : vector<128x200xf32>
    %dot_general3A_39 = tpu.matmul %dot_general3A_34, %get3A_37, %dot_general3A_38 {dimension_numbers = #tpu.dot_dimension_numbers<[1], [1], [0], [0], [0, 0, 1, 0], [], []>, transpose_lhs_hint = false} : vector<128x200xf32>, vector<200x200xf32>, vector<128x200xf32> -> vector<128x200xf32>
    %get3A_40 = arith.constant 0 : index
    %get3A_41 = arith.constant 0 : index
    %get3A_42 = vector.load %arg7[%get3A_40, %get3A_41] : memref<1x200xf32, #tpu.memory_space<vmem>>, vector<1x200xf32>
    %add3A_43 = vector.broadcast %get3A_42 : vector<1x200xf32> to vector<128x200xf32>
    %add3A_44 = arith.addf %dot_general3A_39, %add3A_43 : vector<128x200xf32>
    %max3A_45 = arith.constant 0.000000e+00 : f32
    %max3A_46 = vector.broadcast %max3A_45 : f32 to vector<128x200xf32>
    %max3A_47 = arith.maximumf %add3A_44, %max3A_46 : vector<128x200xf32>
    %dot_general3A_48 = arith.constant dense<0.000000e+00> : vector<128x200xf32>
    %dot_general3A_49 = tpu.matmul %get3A_3, %max3A_47, %dot_general3A_48 {dimension_numbers = #tpu.dot_dimension_numbers<[1], [0], [0], [1], [0, 0, 1, 1], [], []>, transpose_lhs_hint = false} : vector<128x128xf32>, vector<128x200xf32>, vector<128x200xf32> -> vector<128x200xf32>
    %get3A_50 = arith.constant 0 : index
    %get3A_51 = arith.constant 0 : index
    %get3A_52 = vector.load %arg8[%get3A_50, %get3A_51] : memref<200x200xf32, #tpu.memory_space<vmem>>, vector<200x200xf32>
    %dot_general3A_53 = arith.constant dense<0.000000e+00> : vector<128x200xf32>
    %dot_general3A_54 = tpu.matmul %dot_general3A_49, %get3A_52, %dot_general3A_53 {dimension_numbers = #tpu.dot_dimension_numbers<[1], [1], [0], [0], [0, 0, 1, 0], [], []>, transpose_lhs_hint = false} : vector<128x200xf32>, vector<200x200xf32>, vector<128x200xf32> -> vector<128x200xf32>
    %get3A_55 = arith.constant 0 : index
    %get3A_56 = arith.constant 0 : index
    %get3A_57 = vector.load %arg9[%get3A_55, %get3A_56] : memref<1x200xf32, #tpu.memory_space<vmem>>, vector<1x200xf32>
    %add3A_58 = vector.broadcast %get3A_57 : vector<1x200xf32> to vector<128x200xf32>
    %add3A_59 = arith.addf %dot_general3A_54, %add3A_58 : vector<128x200xf32>
    %max3A_60 = arith.constant 0.000000e+00 : f32
    %max3A_61 = vector.broadcast %max3A_60 : f32 to vector<128x200xf32>
    %max3A_62 = arith.maximumf %add3A_59, %max3A_61 : vector<128x200xf32>
    %get3A_63 = arith.constant 0 : index
    %get3A_64 = arith.constant 0 : index
    %get3A_65 = vector.load %arg10[%get3A_63, %get3A_64] : memref<1x4400xf32, #tpu.memory_space<vmem>>, vector<1x4400xf32>
    %slice3A = vector.extract_strided_slice %get3A_65 {offsets = [0, 0], sizes = [1, 200], strides = [1, 1]} : vector<1x4400xf32> to vector<1x200xf32>
    %slice3A_66 = vector.extract_strided_slice %get3A_65 {offsets = [0, 200], sizes = [1, 200], strides = [1, 1]} : vector<1x4400xf32> to vector<1x200xf32>
    %slice3A_67 = vector.extract_strided_slice %get3A_65 {offsets = [0, 400], sizes = [1, 200], strides = [1, 1]} : vector<1x4400xf32> to vector<1x200xf32>
    %slice3A_68 = vector.extract_strided_slice %get3A_65 {offsets = [0, 600], sizes = [1, 200], strides = [1, 1]} : vector<1x4400xf32> to vector<1x200xf32>
    %slice3A_69 = vector.extract_strided_slice %get3A_65 {offsets = [0, 800], sizes = [1, 200], strides = [1, 1]} : vector<1x4400xf32> to vector<1x200xf32>
    %slice3A_70 = vector.extract_strided_slice %get3A_65 {offsets = [0, 1000], sizes = [1, 200], strides = [1, 1]} : vector<1x4400xf32> to vector<1x200xf32>
    %slice3A_71 = vector.extract_strided_slice %get3A_65 {offsets = [0, 1200], sizes = [1, 200], strides = [1, 1]} : vector<1x4400xf32> to vector<1x200xf32>
    %slice3A_72 = vector.extract_strided_slice %get3A_65 {offsets = [0, 1400], sizes = [1, 200], strides = [1, 1]} : vector<1x4400xf32> to vector<1x200xf32>
    %slice3A_73 = vector.extract_strided_slice %get3A_65 {offsets = [0, 1600], sizes = [1, 200], strides = [1, 1]} : vector<1x4400xf32> to vector<1x200xf32>
    %slice3A_74 = vector.extract_strided_slice %get3A_65 {offsets = [0, 1800], sizes = [1, 200], strides = [1, 1]} : vector<1x4400xf32> to vector<1x200xf32>
    %slice3A_75 = vector.extract_strided_slice %get3A_65 {offsets = [0, 2000], sizes = [1, 200], strides = [1, 1]} : vector<1x4400xf32> to vector<1x200xf32>
    %slice3A_76 = vector.extract_strided_slice %get3A_65 {offsets = [0, 2200], sizes = [1, 200], strides = [1, 1]} : vector<1x4400xf32> to vector<1x200xf32>
    %slice3A_77 = vector.extract_strided_slice %get3A_65 {offsets = [0, 2400], sizes = [1, 200], strides = [1, 1]} : vector<1x4400xf32> to vector<1x200xf32>
    %slice3A_78 = vector.extract_strided_slice %get3A_65 {offsets = [0, 2600], sizes = [1, 200], strides = [1, 1]} : vector<1x4400xf32> to vector<1x200xf32>
    %slice3A_79 = vector.extract_strided_slice %get3A_65 {offsets = [0, 2800], sizes = [1, 200], strides = [1, 1]} : vector<1x4400xf32> to vector<1x200xf32>
    %slice3A_80 = vector.extract_strided_slice %get3A_65 {offsets = [0, 3000], sizes = [1, 200], strides = [1, 1]} : vector<1x4400xf32> to vector<1x200xf32>
    %slice3A_81 = vector.extract_strided_slice %get3A_65 {offsets = [0, 3200], sizes = [1, 200], strides = [1, 1]} : vector<1x4400xf32> to vector<1x200xf32>
    %slice3A_82 = vector.extract_strided_slice %get3A_65 {offsets = [0, 3400], sizes = [1, 200], strides = [1, 1]} : vector<1x4400xf32> to vector<1x200xf32>
    %slice3A_83 = vector.extract_strided_slice %get3A_65 {offsets = [0, 3600], sizes = [1, 200], strides = [1, 1]} : vector<1x4400xf32> to vector<1x200xf32>
    %slice3A_84 = vector.extract_strided_slice %get3A_65 {offsets = [0, 3800], sizes = [1, 200], strides = [1, 1]} : vector<1x4400xf32> to vector<1x200xf32>
    %slice3A_85 = vector.extract_strided_slice %get3A_65 {offsets = [0, 4000], sizes = [1, 200], strides = [1, 1]} : vector<1x4400xf32> to vector<1x200xf32>
    %slice3A_86 = vector.extract_strided_slice %get3A_65 {offsets = [0, 4200], sizes = [1, 200], strides = [1, 1]} : vector<1x4400xf32> to vector<1x200xf32>
    %broadcast_in_dim3A_87 = arith.constant 0.000000e+00 : f32
    %broadcast_in_dim3A_88 = vector.broadcast %broadcast_in_dim3A_87 : f32 to vector<62x200xf32>
    %concatenate3A_89 = tpu.concatenate %slice3A, %slice3A_66, %slice3A_67, %slice3A_68, %slice3A_69, %slice3A_70, %slice3A_71, %slice3A_72, %slice3A_73, %slice3A_74, %slice3A_75, %slice3A_76, %slice3A_77, %slice3A_78, %slice3A_79, %slice3A_80, %slice3A_81, %slice3A_82, %slice3A_83, %slice3A_84, %slice3A_85, %slice3A_86, %slice3A, %slice3A_66, %slice3A_67, %slice3A_68, %slice3A_69, %slice3A_70, %slice3A_71, %slice3A_72, %slice3A_73, %slice3A_74, %slice3A_75, %slice3A_76, %slice3A_77, %slice3A_78, %slice3A_79, %slice3A_80, %slice3A_81, %slice3A_82, %slice3A_83, %slice3A_84, %slice3A_85, %slice3A_86, %slice3A, %slice3A_66, %slice3A_67, %slice3A_68, %slice3A_69, %slice3A_70, %slice3A_71, %slice3A_72, %slice3A_73, %slice3A_74, %slice3A_75, %slice3A_76, %slice3A_77, %slice3A_78, %slice3A_79, %slice3A_80, %slice3A_81, %slice3A_82, %slice3A_83, %slice3A_84, %slice3A_85, %slice3A_86, %broadcast_in_dim3A_88 in 0 : vector<1x200xf32>, vector<1x200xf32>, vector<1x200xf32>, vector<1x200xf32>, vector<1x200xf32>, vector<1x200xf32>, vector<1x200xf32>, vector<1x200xf32>, vector<1x200xf32>, vector<1x200xf32>, vector<1x200xf32>, vector<1x200xf32>, vector<1x200xf32>, vector<1x200xf32>, vector<1x200xf32>, vector<1x200xf32>, vector<1x200xf32>, vector<1x200xf32>, vector<1x200xf32>, vector<1x200xf32>, vector<1x200xf32>, vector<1x200xf32>, vector<1x200xf32>, vector<1x200xf32>, vector<1x200xf32>, vector<1x200xf32>, vector<1x200xf32>, vector<1x200xf32>, vector<1x200xf32>, vector<1x200xf32>, vector<1x200xf32>, vector<1x200xf32>, vector<1x200xf32>, vector<1x200xf32>, vector<1x200xf32>, vector<1x200xf32>, vector<1x200xf32>, vector<1x200xf32>, vector<1x200xf32>, vector<1x200xf32>, vector<1x200xf32>, vector<1x200xf32>, vector<1x200xf32>, vector<1x200xf32>, vector<1x200xf32>, vector<1x200xf32>, vector<1x200xf32>, vector<1x200xf32>, vector<1x200xf32>, vector<1x200xf32>, vector<1x200xf32>, vector<1x200xf32>, vector<1x200xf32>, vector<1x200xf32>, vector<1x200xf32>, vector<1x200xf32>, vector<1x200xf32>, vector<1x200xf32>, vector<1x200xf32>, vector<1x200xf32>, vector<1x200xf32>, vector<1x200xf32>, vector<1x200xf32>, vector<1x200xf32>, vector<1x200xf32>, vector<1x200xf32>, vector<62x200xf32> -> vector<128x200xf32>
    %mul3A = arith.mulf %max3A_62, %concatenate3A_89 : vector<128x200xf32>
    %reduce_sum3A = arith.constant dense<0.000000e+00> : vector<128xf32>
    %reduce_sum3A_90 = vector.multi_reduction <add>, %mul3A, %reduce_sum3A [1] : vector<128x200xf32> to vector<128xf32>
    %broadcast_in_dim3A_91 = vector.shape_cast %reduce_sum3A_90 : vector<128xf32> to vector<128x1xf32>
    %iota3A = tpu.iota {dimensions = array<i32: 1>} : vector<3x128xi32>
    %iota3A_92 = tpu.iota {dimensions = array<i32: 0>} : vector<3x128xi32>
    %jit3A = arith.constant 22 : i32
    %div3A = vector.broadcast %jit3A : i32 to vector<3x128xi32>
    %div3A_93 = arith.divsi %iota3A, %div3A : vector<3x128xi32>
    %sign3A = arith.constant 0 : i32
    %sign3A_94 = vector.broadcast %sign3A : i32 to vector<3x128xi32>
    %sign3A_95 = arith.cmpi sgt, %iota3A, %sign3A_94 : vector<3x128xi32>
    %sign3A_96 = arith.extui %sign3A_95 : vector<3x128xi1> to vector<3x128xi32>
    %sign3A_97 = arith.constant 0 : i32
    %sign3A_98 = vector.broadcast %sign3A_97 : i32 to vector<3x128xi32>
    %sign3A_99 = arith.cmpi slt, %iota3A, %sign3A_98 : vector<3x128xi32>
    %sign3A_100 = arith.extui %sign3A_99 : vector<3x128xi1> to vector<3x128xi32>
    %sign3A_101 = arith.subi %sign3A_96, %sign3A_100 : vector<3x128xi32>
    %sign3A_102 = arith.constant 0 : i32
    %sign3A_103 = arith.cmpi sgt, %jit3A, %sign3A_102 : i32
    %sign3A_104 = arith.extui %sign3A_103 : i1 to i32
    %sign3A_105 = arith.constant 0 : i32
    %sign3A_106 = arith.cmpi slt, %jit3A, %sign3A_105 : i32
    %sign3A_107 = arith.extui %sign3A_106 : i1 to i32
    %sign3A_108 = arith.subi %sign3A_104, %sign3A_107 : i32
    %ne3A = vector.broadcast %sign3A_108 : i32 to vector<3x128xi32>
    %ne3A_109 = arith.cmpi ne, %sign3A_101, %ne3A : vector<3x128xi32>
    %rem3A = vector.broadcast %jit3A : i32 to vector<3x128xi32>
    %rem3A_110 = arith.remsi %iota3A, %rem3A : vector<3x128xi32>
    %ne3A_111 = arith.constant 0 : i32
    %ne3A_112 = vector.broadcast %ne3A_111 : i32 to vector<3x128xi32>
    %ne3A_113 = arith.cmpi ne, %rem3A_110, %ne3A_112 : vector<3x128xi32>
    %and3A = arith.andi %ne3A_109, %ne3A_113 : vector<3x128xi1>
    %sub3A = arith.constant 1 : i32
    %sub3A_114 = vector.broadcast %sub3A : i32 to vector<3x128xi32>
    %sub3A_115 = arith.subi %div3A_93, %sub3A_114 : vector<3x128xi32>
    %select_n3A = arith.select %and3A, %sub3A_115, %div3A_93 : vector<3x128xi1>, vector<3x128xi32>
    %eq3A = arith.cmpi eq, %select_n3A, %iota3A_92 : vector<3x128xi32>
    %convert_element_type3A = arith.extui %eq3A : vector<3x128xi1> to vector<3x128xi32>
    %convert_element_type3A_116 = arith.sitofp %convert_element_type3A : vector<3x128xi32> to vector<3x128xf32>
    %dot_general3A_117 = arith.constant dense<0.000000e+00> : vector<3x1xf32>
    %dot_general3A_118 = tpu.matmul %convert_element_type3A_116, %broadcast_in_dim3A_91, %dot_general3A_117 {dimension_numbers = #tpu.dot_dimension_numbers<[1], [0], [0], [1], [0, 0, 1, 1], [], []>, precision = #tpu.contract_precision<fp32>, transpose_lhs_hint = false} : vector<3x128xf32>, vector<128x1xf32>, vector<3x1xf32> -> vector<3x1xf32>
    %get3A_119 = arith.constant 0 : index
    %get3A_120 = arith.constant 0 : index
    %get3A_121 = vector.load %arg11[%get3A_119, %get3A_120] : memref<1x1xf32, #tpu.memory_space<vmem>>, vector<1x1xf32>
    %add3A_122 = vector.broadcast %get3A_121 : vector<1x1xf32> to vector<3x1xf32>
    %add3A_123 = arith.addf %dot_general3A_118, %add3A_122 : vector<3x1xf32>
    %swap3A = arith.constant 0 : index
    %swap3A_124 = arith.constant 0 : index
    %swap3A_125 = vector.load %arg12[%swap3A, %swap3A_124] : memref<3x1xf32, #tpu.memory_space<vmem>>, vector<3x1xf32>
    tpu.vector_store %arg12[%swap3A, %swap3A_124], %add3A_123 {strides = array<i32>} : memref<3x1xf32, #tpu.memory_space<vmem>>, vector<3x1xf32>,
    return
  }
}

</mosaic_0001>

<sc_bundles>
// kernel: kernel.4.cloned.1.call-start
scs
__scs_entry_jumppad:
0x0: {  	(pc) =	sbr.rel $0x88, $3  }
0x1: {  	(tag) =	ssettag $0x0;
	lr =	simm.s32 $0x1  }
0x2: {  	[smem:$0x3F95] =	sst lr;
	_ =	strace $0xD0000000  }
0x3: {  	_ = 	snop  }
0x4: {  	_ = 	snop  }
0x5: {  	_ = 	snop  }
0x6: {  	_ = 	snop  }
0x7: {  	_ = 	snop  }
__scs_overlays_trampoline_lowered:
0x8: {  	[smem:$0x3FA4] =	sst s0  }
0x9: {  	[smem:$0x3FA5] =	sst s1  }
0xa: {  	[smem:$0x3FA6] =	sst s2  }
0xb: {  	[smem:$0x3FA7] =	sst s3  }
0xc: {  	[smem:$0x3FA8] =	sst s4  }
0xd: {  	[smem:$0x3FA9] =	sst s5  }
0xe: {  	[smem:$0x3FAA] =	sst s6  }
0xf: {  	[smem:$0x3FAB] =	sst s7  }
0x10: {  	[smem:$0x3FAC] =	sst s8  }
0x11: {  	[smem:$0x3FAD] =	sst s9;
	s0 =	simm.s32 @!p0 $0x0  }
0x12: {  	s1 =	sld [smem:$0x3F93];
	s0 =	simm.s32 @p0 $0x1  }
0x13: {  	[smem:$0x3FAE] =	sst s0;
	s0 =	simm.s32 @!p1 $0x0  }
0x14: {  	s2 =	sld [smem:$0x3F92];
	s0 =	simm.s32 @p1 $0x1  }
0x15: {  	[smem:$0x3FAF] =	sst s0;
	s0 =	simm.s32 @!p2 $0x0  }
0x16: {  	s3 =	sld [smem:$0x3FDB];
	s0 =	simm.s32 @p2 $0x1  }
0x17: {  	s4 =	simm.s32 $0x1BF5;
	[smem:$0x3FB1] =	sst s0  }
0x18: {  	s0 =	sld [smem:$0x3F94];
	_ =	swait.ge [sflag:s4], $0x0  }
0x19: {  	s7 =	sld [smem:$0x3F95]  }
0x1a: {  	s8 =	sadd.s32 $0xFFFFE003, lr  }
0x1b: {  	s9 =	sadd.s32 $0xFFFFFEF7, lr;
	s5 =	simm.s32 $0xFFFFFFFF;
	p2 =	slt.u32 s8, $0xFFFFF086  }
0x1c: {  	p1 =	slt.u32 s9, $0xF7A;
	s5 =	simm.s32 @!p2 $0x0  }
0x1d: {  	s5 =	simm.s32 @p1 $0x1;
	p0 =	seq.s32 s7, s2  }
0x1e: {  	s7 =	smul.u32 @!p0 $0xF7A, s2;
	p2 =	seq.s32 @!p0 s5, $0x0  }
0x1f: {  	s9 =	smul.u32 $0xF7A, s1;
	s8 =	simm.s32 @!p0 $0x1BF5;
	p2 =	por !p2, p0  }
0x20: {  	[sflag:s8] =	ssyncset.s32 @!p0 $0xFFFFF086;
	s6 =	sadd.s32 @!p0 s3, s7;
	s7 =	simm.s32 @!p0 $0x108  }
0x21: {  	s3 =	sadd.s32 s3, s9;
	s6 =	sadd.s32 @!p0 $0x88, s6;
	s7 =	simm.s32 @p2 $0x1082  }
0x22: {  	[simem:s7], [sflag:s8] =	dma.local @!p0 [hbm:s6], $0xF7A  }
0x23: {  	s9 =	sor.u32 $0xD0000000, s2;
	s6 =	simm.s32 $0x108;
	_ =	swait.ge @!p0 [sflag:s8], $0x0  }
0x24: {  	s3 =	sadd.s32 $0x88, s3;
	s6 =	simm.s32 @!p1 $0x1082;
	[sflag:s4] =	ssyncset.s32 $0xFFFFF086  }
0x25: {  	[simem:s6], [sflag:s4] =	dma.local [hbm:s3], $0xF7A  }
0x26: {  	[smem:$0x3F95] =	sst s1;
	(tag) =	ssettag s2;
	_ =	strace s9  }
0x27: {  	s1 =	sld [smem:$0x3FA5]  }
0x28: {  	s2 =	sld [smem:$0x3FA6]  }
0x29: {  	s4 =	sld [smem:$0x3FA8]  }
0x2a: {  	p0 =	seq.s32 s5, $0x0;
	s5 =	sld [smem:$0x3FA9]  }
0x2b: {  	s6 =	sld [smem:$0x3FAA]  }
0x2c: {  	s7 =	sld [smem:$0x3FAB]  }
0x2d: {  	s3 =	simm.s32 $0x108;
	s8 =	sld [smem:$0x3FAC]  }
0x2e: {  	s3 =	simm.s32 @!p0 $0x1082;
	s9 =	sld [smem:$0x3FAD]  }
0x2f: {  	lr =	sadd.s32 s0, s3;
	s0 =	sld [smem:$0x3FA4]  }
0x30: {  	s3 =	sld [smem:$0x3FA7]  }
0x31: {  	[smem:$0x3FB0] =	sst s10  }
0x32: {  	s10 =	sld [smem:$0x3FAE];
	_ =	sdelay $0x3  }
0x33: {  	p0 =	seq.s32 s10, $0x1;
	s10 =	sld [smem:$0x3FB0];
	_ =	sdelay $0x3  }
0x34: {  	[smem:$0x3FB0] =	sst s10  }
0x35: {  	s10 =	sld [smem:$0x3FAF];
	_ =	sdelay $0x3  }
0x36: {  	p1 =	seq.s32 s10, $0x1;
	s10 =	sld [smem:$0x3FB0];
	_ =	sdelay $0x3  }
0x37: {  	[smem:$0x3FB0] =	sst s10  }
0x38: {  	s10 =	sld [smem:$0x3FB1]  }
0x39: {  	_ = 	snop;
	(pc) =	sbr.ind lr, $3  }
0x3a: {  	_ = 	snop  }
0x3b: {  	_ = 	snop  }
0x3c: {  	p2 =	seq.s32 s10, $0x1;
	s10 =	sld [smem:$0x3FB0]  }
0x3d: {  	_ =	shalt  }
0x3e: {  	_ =	shalt  }
0x3f: {  	_ =	shalt  }
0x40: {  	_ =	shalt  }
0x41: {  	_ =	shalt  }
0x42: {  	_ =	shalt  }
0x43: {  	_ =	shalt  }
0x44: {  	_ =	shalt  }
0x45: {  	_ =	shalt  }
0x46: {  	_ =	shalt  }
0x47: {  	_ =	shalt  }
0x48: {  	_ =	shalt  }
0x49: {  	_ =	shalt  }
0x4a: {  	_ =	shalt  }
0x4b: {  	_ =	shalt  }
0x4c: {  	_ =	shalt  }
0x4d: {  	_ =	shalt  }
0x4e: {  	_ =	shalt  }
0x4f: {  	_ =	shalt  }
0x50: {  	_ =	shalt  }
0x51: {  	_ =	shalt  }
0x52: {  	_ =	shalt  }
0x53: {  	_ =	shalt  }
0x54: {  	_ =	shalt  }
0x55: {  	_ =	shalt  }
0x56: {  	_ =	shalt  }
0x57: {  	_ =	shalt  }
0x58: {  	_ =	shalt  }
0x59: {  	_ =	shalt  }
0x5a: {  	_ =	shalt  }
0x5b: {  	_ =	shalt  }
0x5c: {  	_ =	shalt  }
0x5d: {  	_ =	shalt  }
0x5e: {  	_ =	shalt  }
0x5f: {  	_ =	shalt  }
0x60: {  	_ =	shalt  }
0x61: {  	_ =	shalt  }
0x62: {  	_ =	shalt  }
0x63: {  	_ =	shalt  }
0x64: {  	_ =	shalt  }
0x65: {  	_ =	shalt  }
0x66: {  	_ =	shalt  }
0x67: {  	_ =	shalt  }
0x68: {  	_ =	shalt  }
0x69: {  	_ =	shalt  }
0x6a: {  	_ =	shalt  }
0x6b: {  	_ =	shalt  }
0x6c: {  	_ =	shalt  }
0x6d: {  	_ =	shalt  }
0x6e: {  	_ =	shalt  }
0x6f: {  	_ =	shalt  }
0x70: {  	_ =	shalt  }
0x71: {  	_ =	shalt  }
0x72: {  	_ =	shalt  }
0x73: {  	_ =	shalt  }
0x74: {  	_ =	shalt  }
0x75: {  	_ =	shalt  }
0x76: {  	_ =	shalt  }
0x77: {  	_ =	shalt  }
0x78: {  	_ =	shalt  }
0x79: {  	_ =	shalt  }
0x7a: {  	_ =	shalt  }
0x7b: {  	_ =	shalt  }
0x7c: {  	_ =	shalt  }
0x7d: {  	_ =	shalt  }
0x7e: {  	_ =	shalt  }
0x7f: {  	_ =	shalt  }
0x80: {  	_ =	shalt  }
0x81: {  	_ =	shalt  }
0x82: {  	_ =	shalt  }
0x83: {  	_ =	shalt  }
0x84: {  	_ =	shalt  }
0x85: {  	_ =	shalt  }
0x86: {  	_ =	shalt  }
0x87: {  	_ =	shalt  }
.Lfunc_end0:
.L_simem_size_0:
called_computation_lowered:
.L_overlay_start_0:
0x88: {  	s0 =	sld [smem:$0x3FD9]  }
0x89: {  	s1 =	sld [smem:$0x3FFE];
	_ =	sdelay $0x3  }
0x8a: {  	s0 =	sadd.s32 s1, s0  }
0x8b: {  	[smem:$0x3FBC] =	sst s0  }
0x8c: {  	_ = 	snop  }
0x8d: {  	s0 =	sld [smem:$0x3FC8];
	(tm) =	ssettm $0x1  }
0x8e: {  	s16 =	sld [smem:$0x3FFB];
	_ =	sdelay $0x3  }
0x8f: {  	_ =	strace s16  }
0x90: {  	s1 =	sld [smem:$0x3FFC];
	_ =	sdelay $0x3  }
0x91: {  	_ =	strace s1  }
0x92: {  	s1 =	sld [smem:$0x3FFD];
	_ =	sdelay $0x3  }
0x93: {  	_ =	strace s1  }
0x94: {  	_ =	strace $0x8FFFFFFF  }
0x95: {  	s17 =	sld [smem:$0x3FDB];
	_ =	sdelay $0x1  }
0x96: {  	s2 =	simm.s32 $_scs_section_size  }
0x97: {  	s3 =	simm.s32 $_size__tile_overlayer_lowered;
	s4 =	simm.s32 $_tile_overlayer_lowered  }
0x98: {  	s20 =	simm.s32 $0x1BFF;
	s19 =	sshll.u32 s4, $0x1;
	s1 =	sadd.s32 s2, s17  }
0x99: {  	s5 =	simm.s32 $0x0;
	s18 =	sshll.u32 s3, $0x1;
	s3 =	sadd.s32 s19, s1  }
0x9a: {  	[timem:s5], [sflag:s20] =	dma.local [hbm:s3], s18  }
0x9b: {  	_ =	swait.ge [sflag:s20], s18  }
0x9c: {  	s2 =	ssub.s32 $0x0, s18;
	[sflag:s20] =	ssyncset.done $0x0  }
0x9d: {  	[sflag:s20] =	ssyncadd.s32 s2;
	_ =	sdelay $0x1  }
0x9e: {  	s21 =	simm.s32 $0x1B8B  }
0x9f: {  	_ =	swait.ge [sflag:s21], $0x1  }
0xa0: {  	[sflag:s21] =	ssyncset.done $0x0  }
0xa1: {  	s23 =	simm.s32 $0x1B8E;
	s22 =	sld [smem:$0x3FFE];
	[sflag:s21] =	ssyncadd.s32 $0xFFFFFFFF  }
0xa2: {  	s24 =	simm.s32 $execute0_lowered;
	[smem:$0x3FD2] =	sst s23  }
0xa3: {  	s3 =	sshll.u32 s24, $0x1;
	_ =	strace $0x80000046;
	[dreg:$0x1] =	wrdreg $0xFFFFFFFF  }
0xa4: {  	s25 =	simm.s32 $_size_execute0_lowered;
	s1 =	sadd.s32 s1, s3;
	[dreg:$0x0] =	wrdreg $0x0  }
0xa5: {  	s3 =	sshll.u32 s25, $0x1;
	[dreg:$0x2] =	wrdreg s1  }
0xa6: {  	[dreg:$0x3] =	wrdreg s3  }
0xa7: {  	[dreg:$0x4] =	wrdreg $0xC0  }
0xa8: {  	_ =	task [dreg:s5], $0x5FFFF  }
0xa9: {  	[dreg:$0x1] =	wrdreg $0xFFFFFFFF  }
0xaa: {  	[dreg:$0x0] =	wrdreg $0x60  }
0xab: {  	[dreg:$0x2] =	wrdreg s0  }
0xac: {  	[dreg:$0x3] =	wrdreg s22  }
0xad: {  	[dreg:$0x4] =	wrdreg $0x6000  }
0xae: {  	[dreg:$0x5] =	wrdreg $0x9  }
0xaf: {  	_ =	task.clear_ibuf [dreg:s5], $0x6FFFF;
	_ =	strace $0x90000046  }
0xb0: {  	s26 =	simm.s32 $0x9;
	_ =	strace $0x80000048  }
0xb1: {  	_ =	swait.ge [sflag:s26], $0x1  }
0xb2: {  	[sflag:s26] =	ssyncadd.s32 $0xFFFFFFFF  }
0xb3: {  	_ =	strace $0x90000048  }
0xb4: {  	_ =	sfence  }
0xb5: {  	s28 =	sld [smem:$0x0];
	_ =	sdelay $0x1  }
0xb6: {  	s29 =	srdreg.scid  }
0xb7: {  	s30 =	sshll.u32 s29, $0xD;
	s31 =	sshrl.u32 s29, $0x2  }
0xb8: {  	s2 =	sand.u32 $0x4000, s30;
	s1 =	sand.u32 $0x1, s29;
	s0 =	sadd.s32 s31, s28  }
0xb9: {  	s1 =	sor.u32 s2, s1;
	s0 =	sshll.u32 s0, $0x11  }
0xba: {  	s0 =	sor.u32 s0, s1  }
0xbb: {  	s0 =	sadd.s32 $0x8F2B, s0  }
0xbc: {  	[sflag:s0] =	ssyncadd.remote.s32 $0x1  }
0xbd: {  	_ =	sfence.sel $0xFFFF  }
0xbe: {  	[dreg:$0x0] =	wrdreg $0xFFFFFFFF;
	(pc) =	sbr.abs _section_cstart, $3  }
0xbf: {  	[dreg:$0x1] =	wrdreg $0xFFFFFFFF  }
0xc0: {  	_ =	task.clear_ibuf [dreg:s5], $0x2FFFF;
	_ =	strace $0x9FFFFFFF  }
0xc1: {  	(tm) =	ssettm $0x7FFFFFFF  }
tec
execute0_lowered:
.L_overlay_start_1:
0x0: {  	(tag) =	ssettag $0x1  }
0x1: {  	s4 =	rddreg [dreg:$0x0]  }
0x2: {  	s3 =	rddreg [dreg:$0x1]  }
0x3: {  	s2 =	rddreg [dreg:$0x2]  }
0x4: {  	s0 =	rddreg [dreg:$0x3];
	s5 =	simm.s32 $0x0;
	s1 =	stileid.u32  }
0x5: {  	[smem:$0x7FF] =	sst s5;
	s6 =	sshll.u32 s1, $0x5  }
0x6: {  	s31 =	simm.s32 $0x1;
	_ =	strace $0x80000047;
	s4 =	sadd.s32 s4, s6  }
0x7: {  	[tilespmem:s5], [sflag:$0x1] =	stream.linear.gather [hbm4b:s4+s5], $0x80, $0x38;
	[tilespmem:$0xA00] =	vst v63  }
0x8: {  	_ =	swait.ge [sflag:s31], $0x80  }
0x9: {  	[sflag:s31] =	ssyncset.done $0x0  }
0xa: {  	s7 =	simm.s32 $0x80;
	s4 =	sadd.s32 $0x10, s4;
	[sflag:s31] =	ssyncadd.s32 $0xFFFFFF80  }
0xb: {  	[tilespmem:s7], [sflag:$0x1] =	stream.linear.gather [hbm4b:s4+s5], $0x80, $0x38;
	[tilespmem:$0xA00] =	vst v63  }
0xc: {  	_ =	swait.ge [sflag:s31], $0x80  }
0xd: {  	[sflag:s31] =	ssyncset.done $0x0  }
0xe: {  	[sflag:s31] =	ssyncadd.s32 $0xFFFFFF80  }
0xf: {  	v0 =	vld [tilespmem:$0x80]  }
0x10: {  	v1 =	vld [tilespmem:$0x0]  }
0x11: {  	v2 =	vld [tilespmem:$0x90]  }
0x12: {  	v3 =	vld [tilespmem:$0x10]  }
0x13: {  	v4 =	vld [tilespmem:$0xA0]  }
0x14: {  	v5 =	vld [tilespmem:$0x20]  }
0x15: {  	v6 =	vld [tilespmem:$0xB0]  }
0x16: {  	v7 =	vld [tilespmem:$0x30]  }
0x17: {  	v8 =	vld [tilespmem:$0xC0]  }
0x18: {  	v9 =	vld [tilespmem:$0x40]  }
0x19: {  	v10 =	vld [tilespmem:$0xD0];
	v0 =	vshll.u32 v0, $0x7  }
0x1a: {  	v0 =	vadd.s32 v1, v0;
	v1 =	vshll.u32 v2, $0x7;
	v2 =	vld [tilespmem:$0x50]  }
0x1b: {  	[tilespmem:$0x100] =	vst v0;
	v0 =	vadd.s32 v3, v1;
	v1 =	vshll.u32 v4, $0x7  }
0x1c: {  	[tilespmem:$0x110] =	vst v0;
	v0 =	vadd.s32 v5, v1;
	v1 =	vshll.u32 v6, $0x7  }
0x1d: {  	v3 =	vld [tilespmem:$0xE0];
	[tilespmem:$0x120] =	vst v0;
	v0 =	vadd.s32 v7, v1;
	v1 =	vshll.u32 v8, $0x7  }
0x1e: {  	v63 =	vld [tilespmem:$0x60];
	[tilespmem:$0x130] =	vst v0;
	v0 =	vadd.s32 v9, v1;
	v1 =	vshll.u32 v10, $0x7  }
0x1f: {  	[tilespmem:$0x140] =	vst v0;
	v0 =	vadd.s32 v2, v1  }
0x20: {  	[tilespmem:$0x150] =	vst v0;
	v0 =	vimm.f32 $1.000000000e+00  }
0x21: {  	[tilespmem:$0x180] =	vst v0  }
0x22: {  	v1 =	vshll.u32 v3, $0x7;
	[tilespmem:$0x190] =	vst v0  }
0x23: {  	v2 =	vld [tilespmem:$0xF0];
	v1 =	vadd.s32 v63, v1;
	[tilespmem:$0x1A0] =	vst v0  }
0x24: {  	[tilespmem:$0x160] =	vst v1;
	v1 =	vld [tilespmem:$0x70]  }
0x25: {  	[tilespmem:$0x1B0] =	vst v0  }
0x26: {  	[tilespmem:$0x1C0] =	vst v0  }
0x27: {  	[tilespmem:$0x1D0] =	vst v0  }
0x28: {  	[tilespmem:$0x1E0] =	vst v0;
	v2 =	vshll.u32 v2, $0x7  }
0x29: {  	[tilespmem:$0x1F0] =	vst v0;
	v1 =	vadd.s32 v1, v2  }
0x2a: {  	s3 =	sadd.s32 $0x1A00, s3;
	s4 =	simm.s32 $0x40;
	s5 =	simm.s32 $0x0;
	v0 =	vimm.f32 $0.0e+00;
	[tilespmem:$0x170] =	vst v1  }
.LBB2_1:
0x2b: {  	p0 =	sne.s32 s4, $0xFC0;
	[tilespmem:s5+$0x200] =	vst v0;
	s5 =	smov.u32 s4;
	s4 =	sadd.s32 $0x40, s4  }
.Ltmp0:
0x2c: {  	(pc) =	sbr.rel @p0 .LBB2_1-.Ltmp0, $2  }
0x2d: {  	_ =	sdelay $0x2  }
0x2e: {  	s5 =	sshra.s32 s5, $0x2  }
0x2f: {  	s4 =	sshll.u32 s1, $0xA  }
0x30: {  	[tilespmem:s5+$0x200] =	vst v0;
	s28 =	simm.s32 $0x200;
	s29 =	simm.s32 $0x1;
	s4 =	sadd.s32 s4, s2  }
0x31: {  	[spmem:s4] =	stream.linear.scatter [tilespmem:s28], [sflag:$0x1], $0x400, $0x38;
	[tilespmem:$0xA00] =	vst v63  }
0x32: {  	_ =	swait.ge [sflag:s29], $0x400  }
0x33: {  	[sflag:s29] =	ssyncset.done $0x0  }
0x34: {  	s6 =	simm.s32 $0x80;
	[sflag:s29] =	ssyncadd.s32 $0xFFFFFC00  }
0x35: {  	s7 =	simm.s32 $0x100;
	s8 =	simm.s32 $0x180;
	[bflag:$0x0] =	sbarrier.arrive $0xFFFF  }
0x36: {  	[spmem:s2] =	stream.indirect.scatter.add.f32 [tilespmem:s8], [sflag:$0x1], $0x1, s7, s6, $0xb8;
	[tilespmem:$0xA00] =	vst v63  }
0x37: {  	_ =	swait.ge [sflag:s29], $0x80  }
0x38: {  	s30 =	sshll.u32 s1, $0x7;
	[sflag:s29] =	ssyncset.done $0x0  }
0x39: {  	s31 =	sshll.u32 s1, $0x6;
	s4 =	sshrl.u32 s4, $0x3;
	[sflag:s29] =	ssyncadd.s32 $0xFFFFFF80  }
0x3a: {  	s2 =	sadd.s32 s3, s30;
	s3 =	sor.u32 $0x1C01, s31;
	[bflag:$0x0] =	sbarrier.arrive $0xFFFF  }
0x3b: {  	[hbm:s2], [sflag:s3] =	dma.local [spmem:s4], $0x80  }
0x3c: {  	_ =	swait.ge [sflag:s29], $0x80  }
0x3d: {  	[sflag:s29] =	ssyncset.done $0x0  }
0x3e: {  	[sflag:s29] =	ssyncadd.s32 $0xFFFFFF80  }
0x3f: {  	_ =	sfence.sel $0x180000  }
0x40: {  	[bflag:$0x0] =	sbarrier.arrive $0xFFFF  }
0x41: {  	p0 =	sne.s32 s1, $0x0;
	_ =	strace $0x90000047  }
0x42: {  	s0 =	sadd.s32 @!p0 $0x100000, s0;
	[bflag:$0x2] =	sbarrier.arrive $0xFFFF  }
0x43: {  	[sflag:s0] =	ssyncadd.tile.s32 @!p0 $0x1;
	_ =	shalt  }
.Lfunc_end2:
_tile_overlayer_lowered:
.L_overlay_start_2:
0x44: {  	(tag) =	ssettag $0x2  }
0x45: {  	s0 =	rddreg [dreg:$0x0];
	s2 =	stileid.u32  }
0x46: {  	s1 =	rddreg [dreg:$0x1];
	p0 =	sne.s32 s2, $0x0  }
0x47: {  	s3 =	rddreg [dreg:$0x2];
	[bflag:$0x3] =	sbarrier.arrive $0xFFFF;
	s2 =	simm.s32 @!p0 $0x1C01  }
0x48: {  	[timem:s3], [sflag:s2] =	dma.local @!p0 [hbm:s0], s1  }
0x49: {  	s0 =	simm.s32 @!p0 $0x1  }
0x4a: {  	_ =	swait.ge @!p0 [sflag:s0], s1  }
0x4b: {  	s1 =	ssub.s32 @!p0 $0x0, s1;
	[sflag:s0] =	ssyncset.done @!p0 $0x0  }
0x4c: {  	[sflag:s0] =	ssyncadd.s32 @!p0 s1  }
0x4d: {  	[bflag:$0x3] =	sbarrier.arrive $0xFFFF  }
0x4e: {  	_ =	shalt  }

</sc_bundles>
